<compile_context>
chip_gen: v7x
topology: tpu7x:2x2x1
jax: 0.10.2.dev20260603
libtpu: 0.0.44.dev20260713+nightly
codegen_flags: <defaults>
</compile_context>

<pallas_src>
import functools

import jax
import jax.numpy as jnp
from jax import lax
from jax.experimental import pallas as pl
from jax.experimental.pallas import tpu as pltpu
from jax.experimental.pallas import tpu_sc as plsc

B, C, HW = 4, 384, 4096
K = HW // 2


_ICHUNK = 128
_JCHUNK = 512


def _ranks_body(s_ref, c_ref, o_ref):
    ic = pl.program_id(1)
    col = c_ref[0]
    i_glob = ic * _ICHUNK + lax.broadcasted_iota(jnp.int32, (_ICHUNK, 1), 0)
    acc = jnp.zeros((_ICHUNK, 1), jnp.float32)
    for j in range(HW // _JCHUNK):
        row = s_ref[0, 0:1, j * _JCHUNK:(j + 1) * _JCHUNK]
        jio = j * _JCHUNK + lax.broadcasted_iota(jnp.int32, (1, _JCHUNK), 1)
        lt = row < col
        eq = (row == col) & (jio < i_glob)
        acc = acc + jnp.sum(jnp.where(lt | eq, 1.0, 0.0), axis=1, keepdims=True)
    o_ref[0] = acc.astype(jnp.int32)


def _ranks_call(scores):
    return pl.pallas_call(
        _ranks_body,
        grid=(B, HW // _ICHUNK),
        in_specs=[
            pl.BlockSpec((1, 1, HW), lambda b, i: (b, 0, 0)),
            pl.BlockSpec((1, _ICHUNK, 1), lambda b, i: (b, i, 0)),
        ],
        out_specs=pl.BlockSpec((1, _ICHUNK, 1), lambda b, i: (b, i, 0)),
        out_shape=jax.ShapeDtypeStruct((B, HW, 1), jnp.int32),
    )(scores.reshape(B, 1, HW), scores.reshape(B, HW, 1))


_SEGS = 8
_SEGW = K // _SEGS


def _scatter_sc(ranks_flat):
    mesh = plsc.VectorSubcoreMesh(core_axis_name="c", subcore_axis_name="s")

    @functools.partial(
        pl.kernel,
        out_type=jax.ShapeDtypeStruct((B * K,), jnp.int32),
        mesh=mesh,
        scratch_types=[
            pltpu.VMEM((HW,), jnp.int32),
            pltpu.VMEM((_SEGW,), jnp.int32),
        ],
        compiler_params=pltpu.CompilerParams(needs_layout_passes=False),
    )
    def k(ranks_hbm, out_hbm, ranks_v, out_v):
        wid = lax.axis_index("s") * 2 + lax.axis_index("c")
        batch = wid // _SEGS
        lo = (wid % _SEGS) * _SEGW
        pltpu.sync_copy(ranks_hbm.at[pl.ds(batch * HW, HW)], ranks_v)

        def body(kk, carry):
            rvec = ranks_v[pl.ds(kk * 16, 16)]
            ivec = kk * 16 + lax.iota(jnp.int32, 16)
            mask = (rvec >= lo) & (rvec < lo + _SEGW)
            local = jnp.where(mask, rvec - lo, 0)
            plsc.store_scatter(out_v, [local], ivec, mask=mask)
            return carry

        lax.fori_loop(0, HW // 16, body, 0)
        pltpu.sync_copy(out_v, out_hbm.at[pl.ds(batch * K + lo, _SEGW)])

    return k(ranks_flat)


def kernel(x, w_pred, b_pred):
    residual, _ = jnp.split(x, 2, axis=1)
    residual = residual ** 2
    simple_pred = jnp.einsum('bchw,c->bhw', residual, w_pred) + b_pred[0]
    simple_pred = jax.nn.sigmoid(simple_pred)[:, None, :, :]
    filter_scores = simple_pred + jnp.mean(residual, axis=1, keepdims=True)
    ranks = _ranks_call(filter_scores.reshape(B, HW))
    idx = _scatter_sc(ranks.reshape(-1))
    return filter_scores, idx.reshape(B, K)

# --- scband reference (transcript-rebuilt; emitter-appended) ---
"""Pipeline reference for scband-self-navigated-mamba-21818433863808 (READ-ONLY COPY).

The authoritative reference and input builder live on the scoring server;
editing this copy changes nothing except your own understanding.
"""

import jax, jax.numpy as jnp
import numpy as np

SELF_RATIO = 0.5


def setup_inputs(seed: int = 0) -> dict:
    key = jax.random.key(seed)
    k1, k2, k3 = jax.random.split(key, 3)
    # forward input: x float32[B, in_chans, H, W] with in_chans=768, feature map 64x64 (img 512 / stride 8)
    x = jax.random.normal(k1, (4, 768, 64, 64), dtype=jnp.float32)
    # simple_predictor: nn.Conv2d(in_chans//2 -> 1, kernel_size=1, bias=True)
    w_pred = jax.random.normal(k2, (384,), dtype=jnp.float32) * 0.05
    b_pred = jax.random.normal(k3, (1,), dtype=jnp.float32) * 0.05
    return {"x": x, "w_pred": w_pred, "b_pred": b_pred}


def reference(x, w_pred, b_pred):
    # residual, image_feature = torch.chunk(x, 2, 1)
    residual, image_feature = jnp.split(x, 2, axis=1)
    # prepocess_residual(residual, 'square') -> elementwise square (assumed; helper not in source)
    residual = residual ** 2
    # simple_pred = sigmoid(Conv2d_1x1(residual))  (384 -> 1 channel, 1x1 conv == channel dot product)
    simple_pred = jnp.einsum('bchw,c->bhw', residual, w_pred) + b_pred[0]
    simple_pred = jax.nn.sigmoid(simple_pred)[:, None, :, :]
    # filter_scores = simple_pred + residual.mean(1, keepdim=True)
    filter_scores = simple_pred + jnp.mean(residual, axis=1, keepdims=True)
    b, c, h, w = image_feature.shape
    sample_num = round(h * w * SELF_RATIO)
    # torch.topk(filter_scores.flatten(1), k=sample_num, dim=1, largest=False)
    neg_vals, indices = jax.lax.top_k(-filter_scores.reshape(b, h * w), sample_num)
    return filter_scores, indices

if __name__ == "__main__":
    import jax
    _d = setup_inputs()
    print(jax.jit(kernel)(*tuple(_d.values())))

</pallas_src>

<mosaic_0001>
#map = affine_map<(d0, d1) -> (0)>
module attributes {stable_mosaic.version = 14 : i64} {
  func.func @k(%arg0: i32, %arg1: i32, %arg2: memref<16384xi32, #tpu.memory_space<hbm>>, %arg3: memref<8192xi32, #tpu.memory_space<hbm>>, %arg4: memref<4096xi32, #tpu.memory_space<vmem>>, %arg5: memref<256xi32, #tpu.memory_space<vmem>>) attributes {dimension_semantics = [#tpu.dimension_semantics<core_parallel>, #tpu.dimension_semantics<subcore_parallel>], iteration_bounds = array<i64: 2, 16>, scalar_prefetch = 0 : i64, scratch_operands = 2 : i64, tpu.core_type = #tpu.core_type<sc_vector_subcore>, window_params = [{transform_indices = #map}, {transform_indices = #map}]} {
    %mul3A = arith.constant 2 : i32
    %mul3A_0 = arith.muli %arg1, %mul3A : i32
    %add3A = arith.addi %mul3A_0, %arg0 : i32
    %jit3A = arith.constant 8 : i32
    %div3A = arith.divsi %add3A, %jit3A : i32
    %sign3A = arith.constant 0 : i32
    %sign3A_1 = arith.cmpi sgt, %add3A, %sign3A : i32
    %sign3A_2 = arith.extui %sign3A_1 : i1 to i32
    %sign3A_3 = arith.constant 0 : i32
    %sign3A_4 = arith.cmpi slt, %add3A, %sign3A_3 : i32
    %sign3A_5 = arith.extui %sign3A_4 : i1 to i32
    %sign3A_6 = arith.subi %sign3A_2, %sign3A_5 : i32
    %sign3A_7 = arith.constant 0 : i32
    %sign3A_8 = arith.cmpi sgt, %jit3A, %sign3A_7 : i32
    %sign3A_9 = arith.extui %sign3A_8 : i1 to i32
    %sign3A_10 = arith.constant 0 : i32
    %sign3A_11 = arith.cmpi slt, %jit3A, %sign3A_10 : i32
    %sign3A_12 = arith.extui %sign3A_11 : i1 to i32
    %sign3A_13 = arith.subi %sign3A_9, %sign3A_12 : i32
    %ne3A = arith.cmpi ne, %sign3A_6, %sign3A_13 : i32
    %rem3A = arith.remsi %add3A, %jit3A : i32
    %ne3A_14 = arith.constant 0 : i32
    %ne3A_15 = arith.cmpi ne, %rem3A, %ne3A_14 : i32
    %and3A = arith.andi %ne3A, %ne3A_15 : i1
    %sub3A = arith.constant 1 : i32
    %sub3A_16 = arith.subi %div3A, %sub3A : i32
    %select_n3A = arith.select %and3A, %sub3A_16, %div3A : i32
    %jit3A_17 = arith.constant 8 : i32
    %eq3A = arith.constant 0 : i32
    %eq3A_18 = arith.cmpi eq, %jit3A_17, %eq3A : i32
    %jit3A_19 = arith.constant 1 : i32
    %select_n3A_20 = arith.select %eq3A_18, %jit3A_19, %jit3A_17 : i32
    %rem3A_21 = arith.remsi %add3A, %select_n3A_20 : i32
    %ne3A_22 = arith.constant 0 : i32
    %ne3A_23 = arith.cmpi ne, %rem3A_21, %ne3A_22 : i32
    %lt3A = arith.constant 0 : i32
    %lt3A_24 = arith.cmpi slt, %rem3A_21, %lt3A : i32
    %lt3A_25 = arith.constant 0 : i32
    %lt3A_26 = arith.cmpi slt, %select_n3A_20, %lt3A_25 : i32
    %ne3A_27 = arith.xori %lt3A_24, %lt3A_26 : i1
    %and3A_28 = arith.andi %ne3A_27, %ne3A_23 : i1
    %add3A_29 = arith.addi %rem3A_21, %select_n3A_20 : i32
    %select_n3A_30 = arith.select %and3A_28, %add3A_29, %rem3A_21 : i32
    %mul3A_31 = arith.constant 256 : i32
    %mul3A_32 = arith.muli %select_n3A_30, %mul3A_31 : i32
    %mul3A_33 = arith.constant 4096 : i32
    %mul3A_34 = arith.muli %select_n3A, %mul3A_33 : i32
    "tpu.region"() ({
      %run_scoped3A = tpu.sem_alloc : memref<!tpu.dma_semaphore, #tpu.memory_space<semaphore_mem>>
      %dma_start3A = tpu.memref_slice %arg2[%mul3A_34] : memref<16384xi32, #tpu.memory_space<hbm>> -> memref<4096xi32, #tpu.memory_space<hbm>>
      %dma_start3A_43 = tpu.memref_slice %arg2[%mul3A_34] : memref<16384xi32, #tpu.memory_space<hbm>> -> memref<4096xi32, #tpu.memory_space<hbm>>
      tpu.enqueue_dma source(%dma_start3A_43 : memref<4096xi32, #tpu.memory_space<hbm>>) target(%arg4 : memref<4096xi32, #tpu.memory_space<vmem>>) target_semaphore(%run_scoped3A : memref<!tpu.dma_semaphore, #tpu.memory_space<semaphore_mem>>)
      %dma_wait3A = tpu.memref_slice %arg2[%mul3A_34] : memref<16384xi32, #tpu.memory_space<hbm>> -> memref<4096xi32, #tpu.memory_space<hbm>>
      %dma_wait3A_44 = tpu.memref_slice %arg2[%mul3A_34] : memref<16384xi32, #tpu.memory_space<hbm>> -> memref<4096xi32, #tpu.memory_space<hbm>>
      tpu.wait_dma2 semaphore(%run_scoped3A : memref<!tpu.dma_semaphore, #tpu.memory_space<semaphore_mem>>) src(%dma_wait3A_44 : memref<4096xi32, #tpu.memory_space<hbm>>) dst(%arg4 : memref<4096xi32, #tpu.memory_space<vmem>>)
      tpu.yield
    }) : () -> ()
    %scan3A = arith.constant 0 : i32
    %scan3A_35 = arith.constant 0 : i32
    %scan3A_36 = arith.constant 256 : i32
    %scan3A_37 = arith.addi %scan3A_35, %scan3A_36 : i32
    %scan3A_38 = arith.constant 1 : i32
    scf.for %scan3A_43 = %scan3A_35 to %scan3A_37 step %scan3A_38  : i32 {
      %mul3A_44 = arith.constant 16 : i32
      %mul3A_45 = arith.muli %scan3A_43, %mul3A_44 : i32
      %get3A = arith.index_cast %mul3A_45 : i32 to index
      %get3A_46 = tpu.vector_load %arg4[%get3A] {strides = array<i32>} : memref<4096xi32, #tpu.memory_space<vmem>>, vector<16xi32>,
      %mul3A_47 = arith.constant 16 : i32
      %mul3A_48 = arith.muli %scan3A_43, %mul3A_47 : i32
      %iota3A = tpu.iota {dimensions = array<i32: 0>} : vector<16xi32>
      %add3A_49 = vector.broadcast %mul3A_48 : i32 to vector<16xi32>
      %add3A_50 = arith.addi %add3A_49, %iota3A : vector<16xi32>
      %ge3A = vector.broadcast %mul3A_32 : i32 to vector<16xi32>
      %ge3A_51 = arith.cmpi sge, %get3A_46, %ge3A : vector<16xi32>
      %add3A_52 = arith.constant 256 : i32
      %add3A_53 = arith.addi %mul3A_32, %add3A_52 : i32
      %lt3A_54 = vector.broadcast %add3A_53 : i32 to vector<16xi32>
      %lt3A_55 = arith.cmpi slt, %get3A_46, %lt3A_54 : vector<16xi32>
      %and3A_56 = arith.andi %ge3A_51, %lt3A_55 : vector<16xi1>
      %sub3A_57 = vector.broadcast %mul3A_32 : i32 to vector<16xi32>
      %sub3A_58 = arith.subi %get3A_46, %sub3A_57 : vector<16xi32>
      %jit3A_59 = arith.constant 0 : i32
      %broadcast_in_dim3A = vector.broadcast %jit3A_59 : i32 to vector<16xi32>
      %select_n3A_60 = arith.select %and3A_56, %sub3A_58, %broadcast_in_dim3A : vector<16xi1>, vector<16xi32>
      tpu.vector_store_idx %arg5[%select_n3A_60], %add3A_50 masked %and3A_56 : memref<256xi32, #tpu.memory_space<vmem>>[vector<16xi32>], vector<16xi32>, vector<16xi1>
    }
    %scan3A_39 = arith.constant 256 : i32
    %mul3A_40 = arith.constant 2048 : i32
    %mul3A_41 = arith.muli %select_n3A, %mul3A_40 : i32
    %add3A_42 = arith.addi %mul3A_41, %mul3A_32 : i32
    "tpu.region"() ({
      %run_scoped3A = tpu.sem_alloc : memref<!tpu.dma_semaphore, #tpu.memory_space<semaphore_mem>>
      %dma_start3A = tpu.memref_slice %arg3[%add3A_42] : memref<8192xi32, #tpu.memory_space<hbm>> -> memref<256xi32, #tpu.memory_space<hbm>>
      %dma_start3A_43 = tpu.memref_slice %arg3[%add3A_42] : memref<8192xi32, #tpu.memory_space<hbm>> -> memref<256xi32, #tpu.memory_space<hbm>>
      tpu.enqueue_dma source(%arg5 : memref<256xi32, #tpu.memory_space<vmem>>) target(%dma_start3A_43 : memref<256xi32, #tpu.memory_space<hbm>>) target_semaphore(%run_scoped3A : memref<!tpu.dma_semaphore, #tpu.memory_space<semaphore_mem>>)
      %dma_wait3A = tpu.memref_slice %arg3[%add3A_42] : memref<8192xi32, #tpu.memory_space<hbm>> -> memref<256xi32, #tpu.memory_space<hbm>>
      %dma_wait3A_44 = tpu.memref_slice %arg3[%add3A_42] : memref<8192xi32, #tpu.memory_space<hbm>> -> memref<256xi32, #tpu.memory_space<hbm>>
      tpu.wait_dma2 semaphore(%run_scoped3A : memref<!tpu.dma_semaphore, #tpu.memory_space<semaphore_mem>>) src(%arg5 : memref<256xi32, #tpu.memory_space<vmem>>) dst(%dma_wait3A_44 : memref<256xi32, #tpu.memory_space<hbm>>)
      tpu.yield
    }) : () -> ()
    return
  }
}

module attributes {stable_mosaic.version = 14 : i64} {
  func.func @_ranks_body(%arg0: i32, %arg1: i32, %arg2: memref<1x1x4096xf32, #tpu.memory_space<vmem>>, %arg3: memref<1x128x1xf32, #tpu.memory_space<vmem>>, %arg4: memref<1x128x1xi32, #tpu.memory_space<vmem>>) attributes {dimension_semantics = [#tpu.dimension_semantics<arbitrary>, #tpu.dimension_semantics<arbitrary>], iteration_bounds = array<i64: 4, 32>, scalar_prefetch = 0 : i64, scratch_operands = 0 : i64, tpu.core_type = #tpu.core_type<tc>, window_params = [{transform_indices = @transform_0, window_bounds = array<i64: 1, 1, 4096>}, {transform_indices = @transform_1, window_bounds = array<i64: 1, 128, 1>}, {transform_indices = @transform_2, window_bounds = array<i64: 1, 128, 1>}]} {
    %get3A = arith.constant 0 : index
    %get3A_0 = arith.constant 0 : index
    %get3A_1 = arith.constant 0 : index
    %get3A_2 = vector.load %arg3[%get3A, %get3A_0, %get3A_1] : memref<1x128x1xf32, #tpu.memory_space<vmem>>, vector<1x128x1xf32>
    %get3A_3 = vector.shape_cast %get3A_2 : vector<1x128x1xf32> to vector<128x1xf32>
    %mul3A = arith.constant 128 : i32
    %mul3A_4 = arith.muli %arg1, %mul3A : i32
    %iota3A = tpu.iota {dimensions = array<i32: 0>} : vector<128x1xi32>
    %add3A = vector.broadcast %mul3A_4 : i32 to vector<128x1xi32>
    %add3A_5 = arith.addi %add3A, %iota3A : vector<128x1xi32>
    %broadcast_in_dim3A = arith.constant 0.000000e+00 : f32
    %broadcast_in_dim3A_6 = vector.broadcast %broadcast_in_dim3A : f32 to vector<128x1xf32>
    %get3A_7 = arith.constant 0 : index
    %get3A_8 = arith.constant 0 : index
    %get3A_9 = arith.constant 0 : index
    %get3A_10 = vector.load %arg2[%get3A_7, %get3A_8, %get3A_9] : memref<1x1x4096xf32, #tpu.memory_space<vmem>>, vector<1x1x512xf32>
    %get3A_11 = vector.shape_cast %get3A_10 : vector<1x1x512xf32> to vector<1x512xf32>
    %iota3A_12 = tpu.iota {dimensions = array<i32: 1>} : vector<1x512xi32>
    %add3A_13 = arith.constant 0 : i32
    %add3A_14 = vector.broadcast %add3A_13 : i32 to vector<1x512xi32>
    %add3A_15 = arith.addi %add3A_14, %iota3A_12 : vector<1x512xi32>
    %lt3A = vector.broadcast %get3A_11 : vector<1x512xf32> to vector<128x512xf32>
    %lt3A_16 = vector.broadcast %get3A_3 : vector<128x1xf32> to vector<128x512xf32>
    %lt3A_17 = arith.cmpf olt, %lt3A, %lt3A_16 : vector<128x512xf32>
    %eq3A = vector.broadcast %get3A_11 : vector<1x512xf32> to vector<128x512xf32>
    %eq3A_18 = vector.broadcast %get3A_3 : vector<128x1xf32> to vector<128x512xf32>
    %eq3A_19 = arith.cmpf oeq, %eq3A, %eq3A_18 : vector<128x512xf32>
    %lt3A_20 = vector.broadcast %add3A_15 : vector<1x512xi32> to vector<128x512xi32>
    %lt3A_21 = vector.broadcast %add3A_5 : vector<128x1xi32> to vector<128x512xi32>
    %lt3A_22 = arith.cmpi slt, %lt3A_20, %lt3A_21 : vector<128x512xi32>
    %and3A = arith.andi %eq3A_19, %lt3A_22 : vector<128x512xi1>
    %or3A = arith.ori %lt3A_17, %and3A : vector<128x512xi1>
    %jit3A = arith.constant 1.000000e+00 : f32
    %jit3A_23 = arith.constant 0.000000e+00 : f32
    %broadcast_in_dim3A_24 = vector.broadcast %jit3A : f32 to vector<128x512xf32>
    %broadcast_in_dim3A_25 = vector.broadcast %jit3A_23 : f32 to vector<128x512xf32>
    %select_n3A = arith.select %or3A, %broadcast_in_dim3A_24, %broadcast_in_dim3A_25 : vector<128x512xi1>, vector<128x512xf32>
    %reduce_sum3A = arith.constant dense<0.000000e+00> : vector<128xf32>
    %reduce_sum3A_26 = vector.multi_reduction <add>, %select_n3A, %reduce_sum3A [1] : vector<128x512xf32> to vector<128xf32>
    %broadcast_in_dim3A_27 = vector.shape_cast %reduce_sum3A_26 : vector<128xf32> to vector<128x1xf32>
    %add3A_28 = arith.addf %broadcast_in_dim3A_6, %broadcast_in_dim3A_27 : vector<128x1xf32>
    %get3A_29 = arith.constant 0 : index
    %get3A_30 = arith.constant 0 : index
    %get3A_31 = arith.constant 512 : index
    %get3A_32 = vector.load %arg2[%get3A_29, %get3A_30, %get3A_31] : memref<1x1x4096xf32, #tpu.memory_space<vmem>>, vector<1x1x512xf32>
    %get3A_33 = vector.shape_cast %get3A_32 : vector<1x1x512xf32> to vector<1x512xf32>
    %iota3A_34 = tpu.iota {dimensions = array<i32: 1>} : vector<1x512xi32>
    %add3A_35 = arith.constant 512 : i32
    %add3A_36 = vector.broadcast %add3A_35 : i32 to vector<1x512xi32>
    %add3A_37 = arith.addi %add3A_36, %iota3A_34 : vector<1x512xi32>
    %lt3A_38 = vector.broadcast %get3A_33 : vector<1x512xf32> to vector<128x512xf32>
    %lt3A_39 = vector.broadcast %get3A_3 : vector<128x1xf32> to vector<128x512xf32>
    %lt3A_40 = arith.cmpf olt, %lt3A_38, %lt3A_39 : vector<128x512xf32>
    %eq3A_41 = vector.broadcast %get3A_33 : vector<1x512xf32> to vector<128x512xf32>
    %eq3A_42 = vector.broadcast %get3A_3 : vector<128x1xf32> to vector<128x512xf32>
    %eq3A_43 = arith.cmpf oeq, %eq3A_41, %eq3A_42 : vector<128x512xf32>
    %lt3A_44 = vector.broadcast %add3A_37 : vector<1x512xi32> to vector<128x512xi32>
    %lt3A_45 = vector.broadcast %add3A_5 : vector<128x1xi32> to vector<128x512xi32>
    %lt3A_46 = arith.cmpi slt, %lt3A_44, %lt3A_45 : vector<128x512xi32>
    %and3A_47 = arith.andi %eq3A_43, %lt3A_46 : vector<128x512xi1>
    %or3A_48 = arith.ori %lt3A_40, %and3A_47 : vector<128x512xi1>
    %jit3A_49 = arith.constant 1.000000e+00 : f32
    %jit3A_50 = arith.constant 0.000000e+00 : f32
    %broadcast_in_dim3A_51 = vector.broadcast %jit3A_49 : f32 to vector<128x512xf32>
    %broadcast_in_dim3A_52 = vector.broadcast %jit3A_50 : f32 to vector<128x512xf32>
    %select_n3A_53 = arith.select %or3A_48, %broadcast_in_dim3A_51, %broadcast_in_dim3A_52 : vector<128x512xi1>, vector<128x512xf32>
    %reduce_sum3A_54 = arith.constant dense<0.000000e+00> : vector<128xf32>
    %reduce_sum3A_55 = vector.multi_reduction <add>, %select_n3A_53, %reduce_sum3A_54 [1] : vector<128x512xf32> to vector<128xf32>
    %broadcast_in_dim3A_56 = vector.shape_cast %reduce_sum3A_55 : vector<128xf32> to vector<128x1xf32>
    %add3A_57 = arith.addf %add3A_28, %broadcast_in_dim3A_56 : vector<128x1xf32>
    %get3A_58 = arith.constant 0 : index
    %get3A_59 = arith.constant 0 : index
    %get3A_60 = arith.constant 1024 : index
    %get3A_61 = vector.load %arg2[%get3A_58, %get3A_59, %get3A_60] : memref<1x1x4096xf32, #tpu.memory_space<vmem>>, vector<1x1x512xf32>
    %get3A_62 = vector.shape_cast %get3A_61 : vector<1x1x512xf32> to vector<1x512xf32>
    %iota3A_63 = tpu.iota {dimensions = array<i32: 1>} : vector<1x512xi32>
    %add3A_64 = arith.constant 1024 : i32
    %add3A_65 = vector.broadcast %add3A_64 : i32 to vector<1x512xi32>
    %add3A_66 = arith.addi %add3A_65, %iota3A_63 : vector<1x512xi32>
    %lt3A_67 = vector.broadcast %get3A_62 : vector<1x512xf32> to vector<128x512xf32>
    %lt3A_68 = vector.broadcast %get3A_3 : vector<128x1xf32> to vector<128x512xf32>
    %lt3A_69 = arith.cmpf olt, %lt3A_67, %lt3A_68 : vector<128x512xf32>
    %eq3A_70 = vector.broadcast %get3A_62 : vector<1x512xf32> to vector<128x512xf32>
    %eq3A_71 = vector.broadcast %get3A_3 : vector<128x1xf32> to vector<128x512xf32>
    %eq3A_72 = arith.cmpf oeq, %eq3A_70, %eq3A_71 : vector<128x512xf32>
    %lt3A_73 = vector.broadcast %add3A_66 : vector<1x512xi32> to vector<128x512xi32>
    %lt3A_74 = vector.broadcast %add3A_5 : vector<128x1xi32> to vector<128x512xi32>
    %lt3A_75 = arith.cmpi slt, %lt3A_73, %lt3A_74 : vector<128x512xi32>
    %and3A_76 = arith.andi %eq3A_72, %lt3A_75 : vector<128x512xi1>
    %or3A_77 = arith.ori %lt3A_69, %and3A_76 : vector<128x512xi1>
    %jit3A_78 = arith.constant 1.000000e+00 : f32
    %jit3A_79 = arith.constant 0.000000e+00 : f32
    %broadcast_in_dim3A_80 = vector.broadcast %jit3A_78 : f32 to vector<128x512xf32>
    %broadcast_in_dim3A_81 = vector.broadcast %jit3A_79 : f32 to vector<128x512xf32>
    %select_n3A_82 = arith.select %or3A_77, %broadcast_in_dim3A_80, %broadcast_in_dim3A_81 : vector<128x512xi1>, vector<128x512xf32>
    %reduce_sum3A_83 = arith.constant dense<0.000000e+00> : vector<128xf32>
    %reduce_sum3A_84 = vector.multi_reduction <add>, %select_n3A_82, %reduce_sum3A_83 [1] : vector<128x512xf32> to vector<128xf32>
    %broadcast_in_dim3A_85 = vector.shape_cast %reduce_sum3A_84 : vector<128xf32> to vector<128x1xf32>
    %add3A_86 = arith.addf %add3A_57, %broadcast_in_dim3A_85 : vector<128x1xf32>
    %get3A_87 = arith.constant 0 : index
    %get3A_88 = arith.constant 0 : index
    %get3A_89 = arith.constant 1536 : index
    %get3A_90 = vector.load %arg2[%get3A_87, %get3A_88, %get3A_89] : memref<1x1x4096xf32, #tpu.memory_space<vmem>>, vector<1x1x512xf32>
    %get3A_91 = vector.shape_cast %get3A_90 : vector<1x1x512xf32> to vector<1x512xf32>
    %iota3A_92 = tpu.iota {dimensions = array<i32: 1>} : vector<1x512xi32>
    %add3A_93 = arith.constant 1536 : i32
    %add3A_94 = vector.broadcast %add3A_93 : i32 to vector<1x512xi32>
    %add3A_95 = arith.addi %add3A_94, %iota3A_92 : vector<1x512xi32>
    %lt3A_96 = vector.broadcast %get3A_91 : vector<1x512xf32> to vector<128x512xf32>
    %lt3A_97 = vector.broadcast %get3A_3 : vector<128x1xf32> to vector<128x512xf32>
    %lt3A_98 = arith.cmpf olt, %lt3A_96, %lt3A_97 : vector<128x512xf32>
    %eq3A_99 = vector.broadcast %get3A_91 : vector<1x512xf32> to vector<128x512xf32>
    %eq3A_100 = vector.broadcast %get3A_3 : vector<128x1xf32> to vector<128x512xf32>
    %eq3A_101 = arith.cmpf oeq, %eq3A_99, %eq3A_100 : vector<128x512xf32>
    %lt3A_102 = vector.broadcast %add3A_95 : vector<1x512xi32> to vector<128x512xi32>
    %lt3A_103 = vector.broadcast %add3A_5 : vector<128x1xi32> to vector<128x512xi32>
    %lt3A_104 = arith.cmpi slt, %lt3A_102, %lt3A_103 : vector<128x512xi32>
    %and3A_105 = arith.andi %eq3A_101, %lt3A_104 : vector<128x512xi1>
    %or3A_106 = arith.ori %lt3A_98, %and3A_105 : vector<128x512xi1>
    %jit3A_107 = arith.constant 1.000000e+00 : f32
    %jit3A_108 = arith.constant 0.000000e+00 : f32
    %broadcast_in_dim3A_109 = vector.broadcast %jit3A_107 : f32 to vector<128x512xf32>
    %broadcast_in_dim3A_110 = vector.broadcast %jit3A_108 : f32 to vector<128x512xf32>
    %select_n3A_111 = arith.select %or3A_106, %broadcast_in_dim3A_109, %broadcast_in_dim3A_110 : vector<128x512xi1>, vector<128x512xf32>
    %reduce_sum3A_112 = arith.constant dense<0.000000e+00> : vector<128xf32>
    %reduce_sum3A_113 = vector.multi_reduction <add>, %select_n3A_111, %reduce_sum3A_112 [1] : vector<128x512xf32> to vector<128xf32>
    %broadcast_in_dim3A_114 = vector.shape_cast %reduce_sum3A_113 : vector<128xf32> to vector<128x1xf32>
    %add3A_115 = arith.addf %add3A_86, %broadcast_in_dim3A_114 : vector<128x1xf32>
    %get3A_116 = arith.constant 0 : index
    %get3A_117 = arith.constant 0 : index
    %get3A_118 = arith.constant 2048 : index
    %get3A_119 = vector.load %arg2[%get3A_116, %get3A_117, %get3A_118] : memref<1x1x4096xf32, #tpu.memory_space<vmem>>, vector<1x1x512xf32>
    %get3A_120 = vector.shape_cast %get3A_119 : vector<1x1x512xf32> to vector<1x512xf32>
    %iota3A_121 = tpu.iota {dimensions = array<i32: 1>} : vector<1x512xi32>
    %add3A_122 = arith.constant 2048 : i32
    %add3A_123 = vector.broadcast %add3A_122 : i32 to vector<1x512xi32>
    %add3A_124 = arith.addi %add3A_123, %iota3A_121 : vector<1x512xi32>
    %lt3A_125 = vector.broadcast %get3A_120 : vector<1x512xf32> to vector<128x512xf32>
    %lt3A_126 = vector.broadcast %get3A_3 : vector<128x1xf32> to vector<128x512xf32>
    %lt3A_127 = arith.cmpf olt, %lt3A_125, %lt3A_126 : vector<128x512xf32>
    %eq3A_128 = vector.broadcast %get3A_120 : vector<1x512xf32> to vector<128x512xf32>
    %eq3A_129 = vector.broadcast %get3A_3 : vector<128x1xf32> to vector<128x512xf32>
    %eq3A_130 = arith.cmpf oeq, %eq3A_128, %eq3A_129 : vector<128x512xf32>
    %lt3A_131 = vector.broadcast %add3A_124 : vector<1x512xi32> to vector<128x512xi32>
    %lt3A_132 = vector.broadcast %add3A_5 : vector<128x1xi32> to vector<128x512xi32>
    %lt3A_133 = arith.cmpi slt, %lt3A_131, %lt3A_132 : vector<128x512xi32>
    %and3A_134 = arith.andi %eq3A_130, %lt3A_133 : vector<128x512xi1>
    %or3A_135 = arith.ori %lt3A_127, %and3A_134 : vector<128x512xi1>
    %jit3A_136 = arith.constant 1.000000e+00 : f32
    %jit3A_137 = arith.constant 0.000000e+00 : f32
    %broadcast_in_dim3A_138 = vector.broadcast %jit3A_136 : f32 to vector<128x512xf32>
    %broadcast_in_dim3A_139 = vector.broadcast %jit3A_137 : f32 to vector<128x512xf32>
    %select_n3A_140 = arith.select %or3A_135, %broadcast_in_dim3A_138, %broadcast_in_dim3A_139 : vector<128x512xi1>, vector<128x512xf32>
    %reduce_sum3A_141 = arith.constant dense<0.000000e+00> : vector<128xf32>
    %reduce_sum3A_142 = vector.multi_reduction <add>, %select_n3A_140, %reduce_sum3A_141 [1] : vector<128x512xf32> to vector<128xf32>
    %broadcast_in_dim3A_143 = vector.shape_cast %reduce_sum3A_142 : vector<128xf32> to vector<128x1xf32>
    %add3A_144 = arith.addf %add3A_115, %broadcast_in_dim3A_143 : vector<128x1xf32>
    %get3A_145 = arith.constant 0 : index
    %get3A_146 = arith.constant 0 : index
    %get3A_147 = arith.constant 2560 : index
    %get3A_148 = vector.load %arg2[%get3A_145, %get3A_146, %get3A_147] : memref<1x1x4096xf32, #tpu.memory_space<vmem>>, vector<1x1x512xf32>
    %get3A_149 = vector.shape_cast %get3A_148 : vector<1x1x512xf32> to vector<1x512xf32>
    %iota3A_150 = tpu.iota {dimensions = array<i32: 1>} : vector<1x512xi32>
    %add3A_151 = arith.constant 2560 : i32
    %add3A_152 = vector.broadcast %add3A_151 : i32 to vector<1x512xi32>
    %add3A_153 = arith.addi %add3A_152, %iota3A_150 : vector<1x512xi32>
    %lt3A_154 = vector.broadcast %get3A_149 : vector<1x512xf32> to vector<128x512xf32>
    %lt3A_155 = vector.broadcast %get3A_3 : vector<128x1xf32> to vector<128x512xf32>
    %lt3A_156 = arith.cmpf olt, %lt3A_154, %lt3A_155 : vector<128x512xf32>
    %eq3A_157 = vector.broadcast %get3A_149 : vector<1x512xf32> to vector<128x512xf32>
    %eq3A_158 = vector.broadcast %get3A_3 : vector<128x1xf32> to vector<128x512xf32>
    %eq3A_159 = arith.cmpf oeq, %eq3A_157, %eq3A_158 : vector<128x512xf32>
    %lt3A_160 = vector.broadcast %add3A_153 : vector<1x512xi32> to vector<128x512xi32>
    %lt3A_161 = vector.broadcast %add3A_5 : vector<128x1xi32> to vector<128x512xi32>
    %lt3A_162 = arith.cmpi slt, %lt3A_160, %lt3A_161 : vector<128x512xi32>
    %and3A_163 = arith.andi %eq3A_159, %lt3A_162 : vector<128x512xi1>
    %or3A_164 = arith.ori %lt3A_156, %and3A_163 : vector<128x512xi1>
    %jit3A_165 = arith.constant 1.000000e+00 : f32
    %jit3A_166 = arith.constant 0.000000e+00 : f32
    %broadcast_in_dim3A_167 = vector.broadcast %jit3A_165 : f32 to vector<128x512xf32>
    %broadcast_in_dim3A_168 = vector.broadcast %jit3A_166 : f32 to vector<128x512xf32>
    %select_n3A_169 = arith.select %or3A_164, %broadcast_in_dim3A_167, %broadcast_in_dim3A_168 : vector<128x512xi1>, vector<128x512xf32>
    %reduce_sum3A_170 = arith.constant dense<0.000000e+00> : vector<128xf32>
    %reduce_sum3A_171 = vector.multi_reduction <add>, %select_n3A_169, %reduce_sum3A_170 [1] : vector<128x512xf32> to vector<128xf32>
    %broadcast_in_dim3A_172 = vector.shape_cast %reduce_sum3A_171 : vector<128xf32> to vector<128x1xf32>
    %add3A_173 = arith.addf %add3A_144, %broadcast_in_dim3A_172 : vector<128x1xf32>
    %get3A_174 = arith.constant 0 : index
    %get3A_175 = arith.constant 0 : index
    %get3A_176 = arith.constant 3072 : index
    %get3A_177 = vector.load %arg2[%get3A_174, %get3A_175, %get3A_176] : memref<1x1x4096xf32, #tpu.memory_space<vmem>>, vector<1x1x512xf32>
    %get3A_178 = vector.shape_cast %get3A_177 : vector<1x1x512xf32> to vector<1x512xf32>
    %iota3A_179 = tpu.iota {dimensions = array<i32: 1>} : vector<1x512xi32>
    %add3A_180 = arith.constant 3072 : i32
    %add3A_181 = vector.broadcast %add3A_180 : i32 to vector<1x512xi32>
    %add3A_182 = arith.addi %add3A_181, %iota3A_179 : vector<1x512xi32>
    %lt3A_183 = vector.broadcast %get3A_178 : vector<1x512xf32> to vector<128x512xf32>
    %lt3A_184 = vector.broadcast %get3A_3 : vector<128x1xf32> to vector<128x512xf32>
    %lt3A_185 = arith.cmpf olt, %lt3A_183, %lt3A_184 : vector<128x512xf32>
    %eq3A_186 = vector.broadcast %get3A_178 : vector<1x512xf32> to vector<128x512xf32>
    %eq3A_187 = vector.broadcast %get3A_3 : vector<128x1xf32> to vector<128x512xf32>
    %eq3A_188 = arith.cmpf oeq, %eq3A_186, %eq3A_187 : vector<128x512xf32>
    %lt3A_189 = vector.broadcast %add3A_182 : vector<1x512xi32> to vector<128x512xi32>
    %lt3A_190 = vector.broadcast %add3A_5 : vector<128x1xi32> to vector<128x512xi32>
    %lt3A_191 = arith.cmpi slt, %lt3A_189, %lt3A_190 : vector<128x512xi32>
    %and3A_192 = arith.andi %eq3A_188, %lt3A_191 : vector<128x512xi1>
    %or3A_193 = arith.ori %lt3A_185, %and3A_192 : vector<128x512xi1>
    %jit3A_194 = arith.constant 1.000000e+00 : f32
    %jit3A_195 = arith.constant 0.000000e+00 : f32
    %broadcast_in_dim3A_196 = vector.broadcast %jit3A_194 : f32 to vector<128x512xf32>
    %broadcast_in_dim3A_197 = vector.broadcast %jit3A_195 : f32 to vector<128x512xf32>
    %select_n3A_198 = arith.select %or3A_193, %broadcast_in_dim3A_196, %broadcast_in_dim3A_197 : vector<128x512xi1>, vector<128x512xf32>
    %reduce_sum3A_199 = arith.constant dense<0.000000e+00> : vector<128xf32>
    %reduce_sum3A_200 = vector.multi_reduction <add>, %select_n3A_198, %reduce_sum3A_199 [1] : vector<128x512xf32> to vector<128xf32>
    %broadcast_in_dim3A_201 = vector.shape_cast %reduce_sum3A_200 : vector<128xf32> to vector<128x1xf32>
    %add3A_202 = arith.addf %add3A_173, %broadcast_in_dim3A_201 : vector<128x1xf32>
    %get3A_203 = arith.constant 0 : index
    %get3A_204 = arith.constant 0 : index
    %get3A_205 = arith.constant 3584 : index
    %get3A_206 = vector.load %arg2[%get3A_203, %get3A_204, %get3A_205] : memref<1x1x4096xf32, #tpu.memory_space<vmem>>, vector<1x1x512xf32>
    %get3A_207 = vector.shape_cast %get3A_206 : vector<1x1x512xf32> to vector<1x512xf32>
    %iota3A_208 = tpu.iota {dimensions = array<i32: 1>} : vector<1x512xi32>
    %add3A_209 = arith.constant 3584 : i32
    %add3A_210 = vector.broadcast %add3A_209 : i32 to vector<1x512xi32>
    %add3A_211 = arith.addi %add3A_210, %iota3A_208 : vector<1x512xi32>
    %lt3A_212 = vector.broadcast %get3A_207 : vector<1x512xf32> to vector<128x512xf32>
    %lt3A_213 = vector.broadcast %get3A_3 : vector<128x1xf32> to vector<128x512xf32>
    %lt3A_214 = arith.cmpf olt, %lt3A_212, %lt3A_213 : vector<128x512xf32>
    %eq3A_215 = vector.broadcast %get3A_207 : vector<1x512xf32> to vector<128x512xf32>
    %eq3A_216 = vector.broadcast %get3A_3 : vector<128x1xf32> to vector<128x512xf32>
    %eq3A_217 = arith.cmpf oeq, %eq3A_215, %eq3A_216 : vector<128x512xf32>
    %lt3A_218 = vector.broadcast %add3A_211 : vector<1x512xi32> to vector<128x512xi32>
    %lt3A_219 = vector.broadcast %add3A_5 : vector<128x1xi32> to vector<128x512xi32>
    %lt3A_220 = arith.cmpi slt, %lt3A_218, %lt3A_219 : vector<128x512xi32>
    %and3A_221 = arith.andi %eq3A_217, %lt3A_220 : vector<128x512xi1>
    %or3A_222 = arith.ori %lt3A_214, %and3A_221 : vector<128x512xi1>
    %jit3A_223 = arith.constant 1.000000e+00 : f32
    %jit3A_224 = arith.constant 0.000000e+00 : f32
    %broadcast_in_dim3A_225 = vector.broadcast %jit3A_223 : f32 to vector<128x512xf32>
    %broadcast_in_dim3A_226 = vector.broadcast %jit3A_224 : f32 to vector<128x512xf32>
    %select_n3A_227 = arith.select %or3A_222, %broadcast_in_dim3A_225, %broadcast_in_dim3A_226 : vector<128x512xi1>, vector<128x512xf32>
    %reduce_sum3A_228 = arith.constant dense<0.000000e+00> : vector<128xf32>
    %reduce_sum3A_229 = vector.multi_reduction <add>, %select_n3A_227, %reduce_sum3A_228 [1] : vector<128x512xf32> to vector<128xf32>
    %broadcast_in_dim3A_230 = vector.shape_cast %reduce_sum3A_229 : vector<128xf32> to vector<128x1xf32>
    %add3A_231 = arith.addf %add3A_202, %broadcast_in_dim3A_230 : vector<128x1xf32>
    %convert_element_type3A = arith.fptosi %add3A_231 : vector<128x1xf32> to vector<128x1xi32>
    %swap3A = arith.constant 0 : index
    %swap3A_232 = arith.constant 0 : index
    %swap3A_233 = arith.constant 0 : index
    %swap3A_234 = vector.load %arg4[%swap3A, %swap3A_232, %swap3A_233] : memref<1x128x1xi32, #tpu.memory_space<vmem>>, vector<1x128x1xi32>
    %swap3A_235 = vector.shape_cast %swap3A_234 : vector<1x128x1xi32> to vector<128x1xi32>
    %swap3A_236 = vector.shape_cast %convert_element_type3A : vector<128x1xi32> to vector<1x128x1xi32>
    tpu.vector_store %arg4[%swap3A, %swap3A_232, %swap3A_233], %swap3A_236 {strides = array<i32>} : memref<1x128x1xi32, #tpu.memory_space<vmem>>, vector<1x128x1xi32>,
    return
  }
  func.func @transform_0(%arg0: i32, %arg1: i32) -> (i32, i32, i32) {
    %c0_i32 = arith.constant 0 : i32
    %c0_i32_0 = arith.constant 0 : i32
    %c0_i32_1 = arith.constant 0 : i32
    return %arg0, %c0_i32, %c0_i32_0 : i32, i32, i32
  }
  func.func @transform_1(%arg0: i32, %arg1: i32) -> (i32, i32, i32) {
    %c0_i32 = arith.constant 0 : i32
    %c0_i32_0 = arith.constant 0 : i32
    return %arg0, %arg1, %c0_i32 : i32, i32, i32
  }
  func.func @transform_2(%arg0: i32, %arg1: i32) -> (i32, i32, i32) {
    %c0_i32 = arith.constant 0 : i32
    %c0_i32_0 = arith.constant 0 : i32
    return %arg0, %arg1, %c0_i32 : i32, i32, i32
  }
}

</mosaic_0001>

<sc_bundles>
// kernel: kernel.4.cloned.1.call-start
scs
__scs_entry_jumppad:
0x0: {  	(pc) =	sbr.rel $0x88, $3  }
0x1: {  	(tag) =	ssettag $0x0;
	lr =	simm.s32 $0x1  }
0x2: {  	[smem:$0x3F9E] =	sst lr;
	_ =	strace $0xD0000000  }
0x3: {  	_ = 	snop  }
0x4: {  	_ = 	snop  }
0x5: {  	_ = 	snop  }
0x6: {  	_ = 	snop  }
0x7: {  	_ = 	snop  }
__scs_overlays_trampoline_lowered:
0x8: {  	[smem:$0x3FAD] =	sst s0  }
0x9: {  	[smem:$0x3FAE] =	sst s1  }
0xa: {  	[smem:$0x3FAF] =	sst s2  }
0xb: {  	[smem:$0x3FB0] =	sst s3  }
0xc: {  	[smem:$0x3FB1] =	sst s4  }
0xd: {  	[smem:$0x3FB2] =	sst s5  }
0xe: {  	[smem:$0x3FB3] =	sst s6  }
0xf: {  	[smem:$0x3FB4] =	sst s7  }
0x10: {  	[smem:$0x3FB5] =	sst s8  }
0x11: {  	[smem:$0x3FB6] =	sst s9;
	s0 =	simm.s32 @!p0 $0x0  }
0x12: {  	s1 =	sld [smem:$0x3F9C];
	s0 =	simm.s32 @p0 $0x1  }
0x13: {  	[smem:$0x3FB7] =	sst s0;
	s0 =	simm.s32 @!p1 $0x0  }
0x14: {  	s2 =	sld [smem:$0x3F9B];
	s0 =	simm.s32 @p1 $0x1  }
0x15: {  	[smem:$0x3FB8] =	sst s0;
	s0 =	simm.s32 @!p2 $0x0  }
0x16: {  	s3 =	sld [smem:$0x3FDB];
	s0 =	simm.s32 @p2 $0x1  }
0x17: {  	s4 =	simm.s32 $0x1BF5;
	[smem:$0x3FBA] =	sst s0  }
0x18: {  	s0 =	sld [smem:$0x3F9D];
	_ =	swait.ge [sflag:s4], $0x0  }
0x19: {  	s7 =	sld [smem:$0x3F9E]  }
0x1a: {  	s8 =	sadd.s32 $0xFFFFE003, lr  }
0x1b: {  	s9 =	sadd.s32 $0xFFFFFEF7, lr;
	s5 =	simm.s32 $0xFFFFFFFF;
	p2 =	slt.u32 s8, $0xFFFFF086  }
0x1c: {  	p1 =	slt.u32 s9, $0xF7A;
	s5 =	simm.s32 @!p2 $0x0  }
0x1d: {  	s5 =	simm.s32 @p1 $0x1;
	p0 =	seq.s32 s7, s2  }
0x1e: {  	s7 =	smul.u32 @!p0 $0xF7A, s2;
	p2 =	seq.s32 @!p0 s5, $0x0  }
0x1f: {  	s9 =	smul.u32 $0xF7A, s1;
	s8 =	simm.s32 @!p0 $0x1BF5;
	p2 =	por !p2, p0  }
0x20: {  	[sflag:s8] =	ssyncset.s32 @!p0 $0xFFFFF086;
	s6 =	sadd.s32 @!p0 s3, s7;
	s7 =	simm.s32 @!p0 $0x108  }
0x21: {  	s3 =	sadd.s32 s3, s9;
	s6 =	sadd.s32 @!p0 $0x88, s6;
	s7 =	simm.s32 @p2 $0x1082  }
0x22: {  	[simem:s7], [sflag:s8] =	dma.local @!p0 [hbm:s6], $0xF7A  }
0x23: {  	s9 =	sor.u32 $0xD0000000, s2;
	s6 =	simm.s32 $0x108;
	_ =	swait.ge @!p0 [sflag:s8], $0x0  }
0x24: {  	s3 =	sadd.s32 $0x88, s3;
	s6 =	simm.s32 @!p1 $0x1082;
	[sflag:s4] =	ssyncset.s32 $0xFFFFF086  }
0x25: {  	[simem:s6], [sflag:s4] =	dma.local [hbm:s3], $0xF7A  }
0x26: {  	[smem:$0x3F9E] =	sst s1;
	(tag) =	ssettag s2;
	_ =	strace s9  }
0x27: {  	s1 =	sld [smem:$0x3FAE]  }
0x28: {  	s2 =	sld [smem:$0x3FAF]  }
0x29: {  	s4 =	sld [smem:$0x3FB1]  }
0x2a: {  	p0 =	seq.s32 s5, $0x0;
	s5 =	sld [smem:$0x3FB2]  }
0x2b: {  	s6 =	sld [smem:$0x3FB3]  }
0x2c: {  	s7 =	sld [smem:$0x3FB4]  }
0x2d: {  	s3 =	simm.s32 $0x108;
	s8 =	sld [smem:$0x3FB5]  }
0x2e: {  	s3 =	simm.s32 @!p0 $0x1082;
	s9 =	sld [smem:$0x3FB6]  }
0x2f: {  	lr =	sadd.s32 s0, s3;
	s0 =	sld [smem:$0x3FAD]  }
0x30: {  	s3 =	sld [smem:$0x3FB0]  }
0x31: {  	[smem:$0x3FB9] =	sst s10  }
0x32: {  	s10 =	sld [smem:$0x3FB7];
	_ =	sdelay $0x3  }
0x33: {  	p0 =	seq.s32 s10, $0x1;
	s10 =	sld [smem:$0x3FB9];
	_ =	sdelay $0x3  }
0x34: {  	[smem:$0x3FB9] =	sst s10  }
0x35: {  	s10 =	sld [smem:$0x3FB8];
	_ =	sdelay $0x3  }
0x36: {  	p1 =	seq.s32 s10, $0x1;
	s10 =	sld [smem:$0x3FB9];
	_ =	sdelay $0x3  }
0x37: {  	[smem:$0x3FB9] =	sst s10  }
0x38: {  	s10 =	sld [smem:$0x3FBA]  }
0x39: {  	_ = 	snop;
	(pc) =	sbr.ind lr, $3  }
0x3a: {  	_ = 	snop  }
0x3b: {  	_ = 	snop  }
0x3c: {  	p2 =	seq.s32 s10, $0x1;
	s10 =	sld [smem:$0x3FB9]  }
0x3d: {  	_ =	shalt  }
0x3e: {  	_ =	shalt  }
0x3f: {  	_ =	shalt  }
0x40: {  	_ =	shalt  }
0x41: {  	_ =	shalt  }
0x42: {  	_ =	shalt  }
0x43: {  	_ =	shalt  }
0x44: {  	_ =	shalt  }
0x45: {  	_ =	shalt  }
0x46: {  	_ =	shalt  }
0x47: {  	_ =	shalt  }
0x48: {  	_ =	shalt  }
0x49: {  	_ =	shalt  }
0x4a: {  	_ =	shalt  }
0x4b: {  	_ =	shalt  }
0x4c: {  	_ =	shalt  }
0x4d: {  	_ =	shalt  }
0x4e: {  	_ =	shalt  }
0x4f: {  	_ =	shalt  }
0x50: {  	_ =	shalt  }
0x51: {  	_ =	shalt  }
0x52: {  	_ =	shalt  }
0x53: {  	_ =	shalt  }
0x54: {  	_ =	shalt  }
0x55: {  	_ =	shalt  }
0x56: {  	_ =	shalt  }
0x57: {  	_ =	shalt  }
0x58: {  	_ =	shalt  }
0x59: {  	_ =	shalt  }
0x5a: {  	_ =	shalt  }
0x5b: {  	_ =	shalt  }
0x5c: {  	_ =	shalt  }
0x5d: {  	_ =	shalt  }
0x5e: {  	_ =	shalt  }
0x5f: {  	_ =	shalt  }
0x60: {  	_ =	shalt  }
0x61: {  	_ =	shalt  }
0x62: {  	_ =	shalt  }
0x63: {  	_ =	shalt  }
0x64: {  	_ =	shalt  }
0x65: {  	_ =	shalt  }
0x66: {  	_ =	shalt  }
0x67: {  	_ =	shalt  }
0x68: {  	_ =	shalt  }
0x69: {  	_ =	shalt  }
0x6a: {  	_ =	shalt  }
0x6b: {  	_ =	shalt  }
0x6c: {  	_ =	shalt  }
0x6d: {  	_ =	shalt  }
0x6e: {  	_ =	shalt  }
0x6f: {  	_ =	shalt  }
0x70: {  	_ =	shalt  }
0x71: {  	_ =	shalt  }
0x72: {  	_ =	shalt  }
0x73: {  	_ =	shalt  }
0x74: {  	_ =	shalt  }
0x75: {  	_ =	shalt  }
0x76: {  	_ =	shalt  }
0x77: {  	_ =	shalt  }
0x78: {  	_ =	shalt  }
0x79: {  	_ =	shalt  }
0x7a: {  	_ =	shalt  }
0x7b: {  	_ =	shalt  }
0x7c: {  	_ =	shalt  }
0x7d: {  	_ =	shalt  }
0x7e: {  	_ =	shalt  }
0x7f: {  	_ =	shalt  }
0x80: {  	_ =	shalt  }
0x81: {  	_ =	shalt  }
0x82: {  	_ =	shalt  }
0x83: {  	_ =	shalt  }
0x84: {  	_ =	shalt  }
0x85: {  	_ =	shalt  }
0x86: {  	_ =	shalt  }
0x87: {  	_ =	shalt  }
.Lfunc_end0:
.L_simem_size_0:
called_computation_lowered:
.L_overlay_start_0:
0x88: {  	s2 =	sld [smem:$0x3FD9]  }
0x89: {  	s3 =	sld [smem:$0x3FFE];
	_ =	sdelay $0x1  }
0x8a: {  	s1 =	srdreg.scid  }
0x8b: {  	s0 =	sand.u32 $0x1, s1  }
0x8c: {  	s16 =	sshll.u32 s0, $0xA;
	s2 =	sadd.s32 s3, s2  }
0x8d: {  	s2 =	sadd.s32 s2, s16  }
0x8e: {  	[smem:$0x3FC5] =	sst s2  }
0x8f: {  	_ = 	snop  }
0x90: {  	(tm) =	ssettm $0x1  }
0x91: {  	s17 =	sld [smem:$0x3FFB];
	_ =	sdelay $0x3  }
0x92: {  	_ =	strace s17  }
0x93: {  	s2 =	sld [smem:$0x3FFC];
	_ =	sdelay $0x3  }
0x94: {  	_ =	strace s2  }
0x95: {  	s2 =	sld [smem:$0x3FFD];
	_ =	sdelay $0x3  }
0x96: {  	_ =	strace s2  }
0x97: {  	_ =	strace $0x8FFFFFFF  }
0x98: {  	s18 =	sld [smem:$0x3FDB];
	_ =	sdelay $0x1  }
0x99: {  	s19 =	simm.s32 $_scs_section_size  }
0x9a: {  	s4 =	simm.s32 $_size__tile_overlayer_lowered;
	s5 =	simm.s32 $_tile_overlayer_lowered  }
0x9b: {  	s22 =	simm.s32 $0x1BFF;
	s21 =	sshll.u32 s5, $0x1;
	s2 =	sadd.s32 s19, s18  }
0x9c: {  	s6 =	simm.s32 $0x0;
	s20 =	sshll.u32 s4, $0x1;
	s4 =	sadd.s32 s21, s2  }
0x9d: {  	[timem:s6], [sflag:s22] =	dma.local [hbm:s4], s20  }
0x9e: {  	_ =	swait.ge [sflag:s22], s20  }
0x9f: {  	s3 =	ssub.s32 $0x0, s20;
	[sflag:s22] =	ssyncset.done $0x0  }
0xa0: {  	[sflag:s22] =	ssyncadd.s32 s3;
	_ =	sdelay $0x1  }
0xa1: {  	s23 =	simm.s32 $0x1B8B  }
0xa2: {  	_ =	swait.ge [sflag:s23], $0x1  }
0xa3: {  	[sflag:s23] =	ssyncset.done $0x0  }
0xa4: {  	s25 =	simm.s32 $0x1B8E;
	s24 =	sld [smem:$0x3FFE];
	[sflag:s23] =	ssyncadd.s32 $0xFFFFFFFF  }
0xa5: {  	s26 =	simm.s32 $execute0_lowered;
	[smem:$0x3FD2] =	sst s25  }
0xa6: {  	s4 =	sshll.u32 s26, $0x1;
	_ =	strace $0x80000046;
	[dreg:$0x1] =	wrdreg $0xFFFFFFFF  }
0xa7: {  	s28 =	simm.s32 $_size_execute0_lowered;
	s2 =	sadd.s32 s2, s4;
	[dreg:$0x0] =	wrdreg $0x0  }
0xa8: {  	s4 =	sshll.u32 s28, $0x1;
	[dreg:$0x2] =	wrdreg s2  }
0xa9: {  	[dreg:$0x3] =	wrdreg s4  }
0xaa: {  	[dreg:$0x4] =	wrdreg $0xC0  }
0xab: {  	_ =	task [dreg:s6], $0x5FFFF  }
0xac: {  	[dreg:$0x1] =	wrdreg $0xFFFFFFFF  }
0xad: {  	[dreg:$0x0] =	wrdreg $0x60  }
0xae: {  	[dreg:$0x2] =	wrdreg s24  }
0xaf: {  	[dreg:$0x3] =	wrdreg $0x9  }
0xb0: {  	_ =	task.clear_ibuf [dreg:s6], $0x4FFFF;
	_ =	strace $0x90000046  }
0xb1: {  	s29 =	simm.s32 $0x9;
	_ =	strace $0x80000048  }
0xb2: {  	_ =	swait.ge [sflag:s29], $0x1  }
0xb3: {  	[sflag:s29] =	ssyncadd.s32 $0xFFFFFFFF  }
0xb4: {  	_ =	strace $0x90000048  }
0xb5: {  	_ =	sfence  }
0xb6: {  	s30 =	sld [smem:$0x0];
	_ =	sdelay $0x2  }
0xb7: {  	s31 =	sshll.u32 s1, $0xD;
	s1 =	sshrl.u32 s1, $0x2  }
0xb8: {  	s3 =	sand.u32 $0x4000, s31;
	s1 =	sadd.s32 s1, s30  }
0xb9: {  	s0 =	sor.u32 s3, s0;
	s1 =	sshll.u32 s1, $0x11  }
0xba: {  	s0 =	sor.u32 s1, s0  }
0xbb: {  	s0 =	sadd.s32 $0x8F2B, s0  }
0xbc: {  	[sflag:s0] =	ssyncadd.remote.s32 $0x1  }
0xbd: {  	_ =	sfence.sel $0xFFFF  }
0xbe: {  	[dreg:$0x0] =	wrdreg $0xFFFFFFFF;
	(pc) =	sbr.abs _section_cstart, $3  }
0xbf: {  	[dreg:$0x1] =	wrdreg $0xFFFFFFFF  }
0xc0: {  	_ =	task.clear_ibuf [dreg:s6], $0x2FFFF;
	_ =	strace $0x9FFFFFFF  }
0xc1: {  	(tm) =	ssettm $0x7FFFFFFF  }
tec
execute0_lowered:
.L_overlay_start_1:
0x0: {  	(tag) =	ssettag $0x1  }
0x1: {  	s0 =	stileid.u32;
	s3 =	rddreg [dreg:$0x0]  }
0x2: {  	s2 =	srdreg.scid;
	s1 =	rddreg [dreg:$0x1]  }
0x3: {  	s4 =	sshll.u32 s0, $0x1;
	s5 =	sand.u32 $0x1, s2;
	s2 =	simm.s32 $0x0  }
0x4: {  	s6 =	sshrl.u32 s0, $0x2;
	s4 =	sand.u32 $0x6, s4;
	[smem:$0x7FF] =	sst s2  }
0x5: {  	s30 =	sshll.u32 s6, $0xB;
	s4 =	sor.u32 s5, s4;
	s5 =	ssub.s32 $0x2, s5  }
0x6: {  	s6 =	sshll.u32 s6, $0x9;
	s7 =	sshll.u32 s4, $0x8;
	s8 =	sshrl.u32 s5, $0x1  }
0x7: {  	_ =	strace $0x80000047;
	s4 =	sor.u32 s30, s7;
	s5 =	ssub.s32 s5, s8  }
0x8: {  	s31 =	sadd.s32 $0x100, s7;
	v0 =	vmov s7;
	s7 =	simm.s32 $0x1000;
	s4 =	sshrl.u32 s4, $0x3  }
0x9: {  	s8 =	simm.s32 $0x0;
	s5 =	smax.u32 s5, $0x1;
	s4 =	sadd.s32 s4, s3  }
0xa: {  	v2 =	vlaneseq.u32;
	v1 =	vmov s31;
	s3 =	sadd.s32 s3, s6;
	s6 =	simm.s32 $0x1;
	s4 =	sadd.s32 $0x800, s4  }
.LBB2_1:
0xb: {  	[tilespmem:s2], [sflag:$0x1] =	stream.linear.gather [hbm4b:s3+s2], $0x1000, $0x38;
	[tilespmem:$0x1100] =	vst v63  }
0xc: {  	_ =	swait.ge [sflag:s6], $0x1000  }
0xd: {  	[sflag:s6] =	ssyncset.done $0x0  }
0xe: {  	[sflag:s6] =	ssyncadd.s32 $0xFFFFF000  }
0xf: {  	s10 =	simm.s32 $0x10;
	s9 =	simm.s32 $0x0;
	s11 =	simm.s32 $0x0;
	v3 =	vld [tilespmem:s2+$0x0]  }
.LBB2_2:
0x10: {  	p0 =	sne.s32 s10, $0xFF0;
	_ =	sdelay $0x3  }
0x11: {  	vm0 =	vge.s32 v3, v0;
	vm1 =	vlt.s32 v3, v1  }
0x12: {  	v3 =	vsub.s32 v3, v0;
	vm0 =	vmand vm0, vm1  }
0x13: {  	v3 =	vnsel vm0, $0x0, v3;
	_ =	sdelay $0x1  }
.Ltmp0:
0x14: {  	(pc) =	sbr.rel @p0 .LBB2_2-.Ltmp0, $4  }
0x15: {  	_ = 	snop  }
0x16: {  	v4 =	vor.u32 s9, v2;
	s9 =	smov.u32 s10  }
0x17: {  	s11 =	sadd.s32 $0x10, s11;
	[tilespmem:v3+s7+$0x0] =	vst.idx.msk vm0, v4  }
0x18: {  	s10 =	sadd.s32 $0x10, s10;
	v3 =	vld [tilespmem:s11+$0x0]  }
0x19: {  	_ =	sdelay $0x3  }
0x1a: {  	vm0 =	vge.s32 v3, v0;
	vm1 =	vlt.s32 v3, v1  }
0x1b: {  	v3 =	vsub.s32 v3, v0;
	vm0 =	vmand vm0, vm1  }
0x1c: {  	v3 =	vnsel vm0, $0x0, v3;
	_ =	sdelay $0x2  }
0x1d: {  	s8 =	sadd.s32 $0x1, s8  }
0x1e: {  	v4 =	vor.u32 s9, v2;
	p0 =	sne.s32 s8, s5  }
.Ltmp1:
0x1f: {  	[tilespmem:v3+s7+$0x0] =	vst.idx.msk vm0, v4;
	(pc) =	sbr.rel @p0 .LBB2_1-.Ltmp1, $4  }
0x20: {  	[hbm4b:s4+s2] =	stream.linear.scatter [tilespmem:s7], [sflag:$0x1], $0x100, $0x38;
	[tilespmem:$0x1100] =	vst v63  }
0x21: {  	_ =	swait.ge [sflag:s6], $0x100  }
0x22: {  	[sflag:s6] =	ssyncset.done $0x0  }
0x23: {  	[sflag:s6] =	ssyncadd.s32 $0xFFFFFF00  }
0x24: {  	_ =	sfence.sel $0x180000  }
0x25: {  	[bflag:$0x0] =	sbarrier.arrive $0xFFFF  }
0x26: {  	p0 =	sne.s32 s0, $0x0;
	_ =	strace $0x90000047  }
0x27: {  	s0 =	sadd.s32 @!p0 $0x100000, s1;
	[bflag:$0x2] =	sbarrier.arrive $0xFFFF  }
0x28: {  	[sflag:s0] =	ssyncadd.tile.s32 @!p0 $0x1;
	_ =	shalt  }
.Lfunc_end2:
_tile_overlayer_lowered:
.L_overlay_start_2:
0x29: {  	(tag) =	ssettag $0x2  }
0x2a: {  	s0 =	rddreg [dreg:$0x0];
	s2 =	stileid.u32  }
0x2b: {  	s1 =	rddreg [dreg:$0x1];
	p0 =	sne.s32 s2, $0x0  }
0x2c: {  	s3 =	rddreg [dreg:$0x2];
	[bflag:$0x3] =	sbarrier.arrive $0xFFFF;
	s2 =	simm.s32 @!p0 $0x1C01  }
0x2d: {  	[timem:s3], [sflag:s2] =	dma.local @!p0 [hbm:s0], s1  }
0x2e: {  	s0 =	simm.s32 @!p0 $0x1  }
0x2f: {  	_ =	swait.ge @!p0 [sflag:s0], s1  }
0x30: {  	s1 =	ssub.s32 @!p0 $0x0, s1;
	[sflag:s0] =	ssyncset.done @!p0 $0x0  }
0x31: {  	[sflag:s0] =	ssyncadd.s32 @!p0 s1  }
0x32: {  	[bflag:$0x3] =	sbarrier.arrive $0xFFFF  }
0x33: {  	_ =	shalt  }

</sc_bundles>
